<compile_context>
chip_gen: v7x
topology: tpu7x:2x2x1
jax: 0.10.2.dev20260603
libtpu: 0.0.44.dev20260713+nightly
codegen_flags: <defaults>
</compile_context>

<pallas_src>
import functools

import jax
import jax.numpy as jnp
from jax import lax
from jax.experimental import pallas as pl
from jax.experimental.pallas import tpu as pltpu
from jax.experimental.pallas import tpu_sc as plsc

_K = 16
_NJ = 8
_NCHUNK = 12544
_KPAD = _NJ * _NCHUNK
_CBL = 896
_NCB = _NCHUNK // _CBL
_QB = 128
_QBD = 128
_CAND = _K * _NJ
_BIG = 3e38
_PAD_VAL = 1e4


def _phase_a_body(nq_ref, ntr_ref, xtest_ref, xtr_ref, m_ref):
    j = pl.program_id(1)
    xt = xtr_ref[...]
    dots = lax.dot_general(
        xt, xtest_ref[...], (((1,), (1,)), ((), ())),
        preferred_element_type=jnp.float32)
    s = (ntr_ref[...] + nq_ref[...]) - 2.0 * dots

    @pl.when(j == 0)
    def _first():
        m_ref[...] = s

    @pl.when(j > 0)
    def _rest():
        m_ref[...] = jnp.minimum(m_ref[...], s)


def _phase_b_body(m_ref, out_ref, cid_ref):
    def step(i, carry):
        iota = lax.broadcasted_iota(jnp.int32, (_NCHUNK, _QB), 0)
        m = jnp.min(m_ref[...], axis=0, keepdims=True)
        am = jnp.min(jnp.where(m_ref[...] == m, iota, _NCHUNK),
                     axis=0, keepdims=True)
        cid_ref[pl.ds(i, 1), :] = am
        m_ref[...] = jnp.where(iota == am, _BIG, m_ref[...])
        return carry

    lax.fori_loop(0, _K, step, 0)
    out_ref[...] = cid_ref[...]


def _phase_c_body(nq, xtr_hbm, idx_hbm, cid_hbm, y2_hbm, rows_out, yg_out,
                  idx_v, rows_v, cid_v, yr_v, sem):
    wid = lax.axis_index("s") * 2 + lax.axis_index("c")
    nw = 32
    b_per_w = (nq * _CAND) // nw
    nchunks = b_per_w // 128
    base = wid * b_per_w

    def chunk(c, carry):
        off = base + c * 128
        pltpu.sync_copy(idx_hbm.at[pl.ds(off, 128)], idx_v)
        pltpu.async_copy(xtr_hbm.at[idx_v], rows_v, sem).wait()
        pltpu.sync_copy(rows_v, rows_out.at[pl.ds(off, 128)])
        return carry

    lax.fori_loop(0, nchunks, chunk, 0)

    cb_per_w = (nq * _K) // nw
    cchunks = cb_per_w // 128
    cbase = wid * cb_per_w

    def ychunk(c, carry):
        off = cbase + c * 128
        pltpu.sync_copy(cid_hbm.at[pl.ds(off, 128)], cid_v)
        pltpu.async_copy(y2_hbm.at[cid_v], yr_v, sem).wait()
        pltpu.sync_copy(yr_v, yg_out.at[pl.ds(off, 128)])
        return carry

    lax.fori_loop(0, cchunks, ychunk, 0)


def _phase_d_body(xtest_ref, rows_ref, ygT_ref, ngT_ref, idxT_ref, nq_ref,
                  out_ref):
    dots = lax.dot_general(
        rows_ref[...], xtest_ref[...], (((1,), (1,)), ((), ())),
        preferred_element_type=jnp.float32)
    s3 = dots.reshape(_QBD, _CAND, _QBD)
    i0 = lax.broadcasted_iota(jnp.int32, (_QBD, _CAND, _QBD), 0)
    i2 = lax.broadcasted_iota(jnp.int32, (_QBD, _CAND, _QBD), 2)
    dsel = jnp.sum(jnp.where(i0 == i2, s3, 0.0), axis=0)
    sT = jnp.sqrt(jnp.maximum(
        (nq_ref[...] + ngT_ref[...]) - 2.0 * dsel, 0.0))
    yT = ygT_ref[...]
    ridx = idxT_ref[...]

    def step(i, carry):
        s, ysum = carry
        m = jnp.min(s, axis=0, keepdims=True)
        am = jnp.min(jnp.where(s == m, ridx, jnp.int32(2 ** 30)),
                     axis=0, keepdims=True)
        onehot = ridx == am
        ysum = ysum + jnp.sum(jnp.where(onehot, yT, 0.0), axis=0,
                              keepdims=True)
        return jnp.where(onehot, _BIG, s), ysum

    _, ysum = lax.fori_loop(
        0, _K, step, (sT, jnp.zeros((1, _QBD), jnp.float32)))
    out_ref[...] = ysum / float(_K)


def _knn_half(x_pad, y2, ntr2, nq2, x_test, d, interpret=False):
    qn = x_test.shape[0]

    m = pl.pallas_call(
        _phase_a_body,
        grid=(_NCB, _NJ),
        in_specs=[
            pl.BlockSpec((1, qn), lambda cb, j: (0, 0)),
            pl.BlockSpec((_CBL, 1), lambda cb, j: (j * _NCB + cb, 0)),
            pl.BlockSpec((qn, d), lambda cb, j: (0, 0)),
            pl.BlockSpec((_CBL, d), lambda cb, j: (j * _NCB + cb, 0)),
        ],
        out_specs=pl.BlockSpec((_CBL, qn), lambda cb, j: (cb, 0)),
        out_shape=jax.ShapeDtypeStruct((_NCHUNK, qn), jnp.float32),
        compiler_params=pltpu.CompilerParams(
            dimension_semantics=("arbitrary", "arbitrary")),
        interpret=interpret,
    )(nq2, ntr2, x_test, x_pad)

    cid_t = pl.pallas_call(
        _phase_b_body,
        grid=(qn // _QB,),
        in_specs=[pl.BlockSpec((_NCHUNK, _QB), lambda qb: (0, qb))],
        out_specs=pl.BlockSpec((_K, _QB), lambda qb: (0, qb)),
        out_shape=jax.ShapeDtypeStruct((_K, qn), jnp.int32),
        scratch_shapes=[pltpu.VMEM((_K, _QB), jnp.int32)],
        compiler_params=pltpu.CompilerParams(
            dimension_semantics=("arbitrary",)),
        interpret=interpret,
    )(m)
    cid = cid_t.T

    idx_flat = (cid[:, :, None]
                + jnp.arange(_NJ, dtype=jnp.int32)[None, None, :] * _NCHUNK
                ).reshape(-1)
    cid_flat = cid.reshape(-1)
    nb = qn * _CAND
    mesh = plsc.VectorSubcoreMesh(core_axis_name="c", subcore_axis_name="s")
    c_kernel = pl.kernel(
        functools.partial(_phase_c_body, qn),
        out_type=[
            jax.ShapeDtypeStruct((nb, d), jnp.float32),
            jax.ShapeDtypeStruct((qn * _K, d), jnp.float32),
        ],
        mesh=mesh,
        scratch_types=[
            pltpu.VMEM((128,), jnp.int32),
            pltpu.VMEM((128, d), jnp.float32),
            pltpu.VMEM((128,), jnp.int32),
            pltpu.VMEM((128, d), jnp.float32),
            pltpu.SemaphoreType.DMA,
        ],
        interpret=interpret,
    )
    rows, yg = c_kernel(x_pad, idx_flat, cid_flat, y2)

    ygT = yg[:, :_NJ].reshape(qn, _CAND).T
    ngT = yg[:, _NJ:2 * _NJ].reshape(qn, _CAND).T
    idxT = idx_flat.reshape(qn, _CAND).T
    out = pl.pallas_call(
        _phase_d_body,
        grid=(qn // _QBD,),
        in_specs=[
            pl.BlockSpec((_QBD, d), lambda b: (b, 0)),
            pl.BlockSpec((_QBD * _CAND, d), lambda b: (b, 0)),
            pl.BlockSpec((_CAND, _QBD), lambda b: (0, b)),
            pl.BlockSpec((_CAND, _QBD), lambda b: (0, b)),
            pl.BlockSpec((_CAND, _QBD), lambda b: (0, b)),
            pl.BlockSpec((1, _QBD), lambda b: (0, b)),
        ],
        out_specs=pl.BlockSpec((1, _QBD), lambda b: (0, b)),
        out_shape=jax.ShapeDtypeStruct((1, qn), jnp.float32),
        compiler_params=pltpu.CompilerParams(
            dimension_semantics=("arbitrary",)),
        interpret=interpret,
    )(x_test, rows, ygT, ngT, idxT, nq2)
    return out.reshape(-1)


def _knn_pallas(x_train, x_test, y_train, interpret=False):
    ktot, d = x_train.shape
    qn = x_test.shape[0]
    x_pad = jnp.concatenate(
        [x_train,
         jnp.full((_KPAD - ktot, d), _PAD_VAL, jnp.float32)], axis=0)
    y_pad = jnp.concatenate(
        [y_train, jnp.zeros((_KPAD - ktot,), jnp.float32)], axis=0)
    ntr = jnp.concatenate(
        [jnp.sum(x_train * x_train, axis=1),
         jnp.full((_KPAD - ktot,), 128.0 * _PAD_VAL * _PAD_VAL,
                  jnp.float32)], axis=0)
    nq = jnp.sum(x_test * x_test, axis=1)
    ntr2 = ntr[:, None]
    y2 = jnp.pad(
        jnp.concatenate([y_pad.reshape(_NJ, _NCHUNK).T,
                         ntr.reshape(_NJ, _NCHUNK).T], axis=1),
        ((0, 0), (0, d - 2 * _NJ)))

    return _knn_half(x_pad, y2, ntr2, nq[None, :], x_test, d, interpret)


def kernel(X_train, X_test, y_train):
    return _knn_pallas(X_train, X_test, y_train)

# --- scband reference (transcript-rebuilt; emitter-appended) ---
"""Pipeline reference for scband-knnregressor-7215545057604 (READ-ONLY COPY).

The authoritative reference and input builder live on the scoring server;
editing this copy changes nothing except your own understanding.
"""

import jax, jax.numpy as jnp
import numpy as np

N_NEIGHBORS = 16

def setup_inputs(seed: int = 0) -> dict:
    key = jax.random.key(seed)
    k1, k2, k3 = jax.random.split(key, 3)
    X_train = jax.random.normal(k1, (100000, 128), dtype=jnp.float32)
    X_test = jax.random.normal(k2, (1024, 128), dtype=jnp.float32)
    y_train = jax.random.normal(k3, (100000,), dtype=jnp.float32)
    return {"X_train": X_train, "X_test": X_test, "y_train": y_train}

def reference(X_train, X_test, y_train):
    # torch.cdist(X_test, X_train, p=2) -> euclidean distance matrix [Q, K]
    # computed via the expanded quadratic form to avoid a [Q, K, d] broadcast
    sq = (jnp.sum(X_test * X_test, axis=1, keepdims=True)
          + jnp.sum(X_train * X_train, axis=1)[None, :]
          - 2.0 * (X_test @ X_train.T))
    distances = jnp.sqrt(jnp.maximum(sq, 0.0))
    # topk(largest=False) == top_k on negated distances
    _, indices = jax.lax.top_k(-distances, N_NEIGHBORS)
    nearest_labels = y_train[indices]          # gather [Q, k]
    predictions = nearest_labels.mean(axis=-1)  # [Q]
    return predictions

if __name__ == "__main__":
    import jax
    _d = setup_inputs()
    print(jax.jit(kernel)(*tuple(_d.values())))

</pallas_src>

<mosaic_0001>
#map = affine_map<(d0, d1) -> (0, 0)>
#map1 = affine_map<(d0, d1) -> (0)>
module attributes {stable_mosaic.version = 14 : i64} {
  func.func @_phase_c_body(%arg0: i32, %arg1: i32, %arg2: memref<100352x128xf32, #tpu.memory_space<hbm>>, %arg3: memref<131072xi32, #tpu.memory_space<hbm>>, %arg4: memref<16384xi32, #tpu.memory_space<hbm>>, %arg5: memref<12544x128xf32, #tpu.memory_space<hbm>>, %arg6: memref<131072x128xf32, #tpu.memory_space<hbm>>, %arg7: memref<16384x128xf32, #tpu.memory_space<hbm>>, %arg8: memref<128xi32, #tpu.memory_space<vmem>>, %arg9: memref<128x128xf32, #tpu.memory_space<vmem>>, %arg10: memref<128xi32, #tpu.memory_space<vmem>>, %arg11: memref<128x128xf32, #tpu.memory_space<vmem>>, %arg12: memref<!tpu.dma_semaphore, #tpu.memory_space<semaphore_mem>>) attributes {dimension_semantics = [#tpu.dimension_semantics<core_parallel>, #tpu.dimension_semantics<subcore_parallel>], iteration_bounds = array<i64: 2, 16>, scalar_prefetch = 0 : i64, scratch_operands = 5 : i64, tpu.core_type = #tpu.core_type<sc_vector_subcore>, window_params = [{transform_indices = #map}, {transform_indices = #map1}, {transform_indices = #map1}, {transform_indices = #map}, {transform_indices = #map}, {transform_indices = #map}]} {
    %mul3A = arith.constant 2 : i32
    %mul3A_0 = arith.muli %arg1, %mul3A : i32
    %add3A = arith.addi %mul3A_0, %arg0 : i32
    %mul3A_1 = arith.constant 4096 : i32
    %mul3A_2 = arith.muli %add3A, %mul3A_1 : i32
    %scan3A = arith.constant 0 : i32
    %scan3A_3 = arith.constant 0 : i32
    %scan3A_4 = arith.constant 32 : i32
    %scan3A_5 = arith.addi %scan3A_3, %scan3A_4 : i32
    %scan3A_6 = arith.constant 1 : i32
    scf.for %scan3A_16 = %scan3A_3 to %scan3A_5 step %scan3A_6  : i32 {
      %mul3A_17 = arith.constant 128 : i32
      %mul3A_18 = arith.muli %scan3A_16, %mul3A_17 : i32
      %add3A_19 = arith.addi %mul3A_2, %mul3A_18 : i32
      "tpu.region"() ({
        %run_scoped3A = tpu.sem_alloc : memref<!tpu.dma_semaphore, #tpu.memory_space<semaphore_mem>>
        %dma_start3A_24 = tpu.memref_slice %arg3[%add3A_19] : memref<131072xi32, #tpu.memory_space<hbm>> -> memref<128xi32, #tpu.memory_space<hbm>>
        %dma_start3A_25 = tpu.memref_slice %arg3[%add3A_19] : memref<131072xi32, #tpu.memory_space<hbm>> -> memref<128xi32, #tpu.memory_space<hbm>>
        tpu.enqueue_dma source(%dma_start3A_25 : memref<128xi32, #tpu.memory_space<hbm>>) target(%arg8 : memref<128xi32, #tpu.memory_space<vmem>>) target_semaphore(%run_scoped3A : memref<!tpu.dma_semaphore, #tpu.memory_space<semaphore_mem>>)
        %dma_wait3A_26 = tpu.memref_slice %arg3[%add3A_19] : memref<131072xi32, #tpu.memory_space<hbm>> -> memref<128xi32, #tpu.memory_space<hbm>>
        %dma_wait3A_27 = tpu.memref_slice %arg3[%add3A_19] : memref<131072xi32, #tpu.memory_space<hbm>> -> memref<128xi32, #tpu.memory_space<hbm>>
        tpu.wait_dma2 semaphore(%run_scoped3A : memref<!tpu.dma_semaphore, #tpu.memory_space<semaphore_mem>>) src(%dma_wait3A_27 : memref<128xi32, #tpu.memory_space<hbm>>) dst(%arg8 : memref<128xi32, #tpu.memory_space<vmem>>)
        tpu.yield
      }) : () -> ()
      %dma_start3A = arith.constant 0 : i32
      %dma_start3A_20 = arith.constant 0 : i32
      %dma_start3A_21 = tpu.memref_slice %arg2[%dma_start3A, %dma_start3A_20] : memref<100352x128xf32, #tpu.memory_space<hbm>> -> memref<100352x128xf32, #tpu.memory_space<hbm>>
      tpu.enqueue_indirect_dma source(%dma_start3A_21 : memref<100352x128xf32, #tpu.memory_space<hbm>>) target(%arg9 : memref<128x128xf32, #tpu.memory_space<vmem>>) offsets(%arg8 : memref<128xi32, #tpu.memory_space<vmem>>) semaphore(%arg12 : memref<!tpu.dma_semaphore, #tpu.memory_space<semaphore_mem>>)
      %dma_wait3A = arith.constant 0 : i32
      %dma_wait3A_22 = arith.constant 0 : i32
      %dma_wait3A_23 = tpu.memref_slice %arg2[%dma_wait3A, %dma_wait3A_22] : memref<100352x128xf32, #tpu.memory_space<hbm>> -> memref<100352x128xf32, #tpu.memory_space<hbm>>
      tpu.wait_indirect_dma semaphore(%arg12 : memref<!tpu.dma_semaphore, #tpu.memory_space<semaphore_mem>>) src(%dma_wait3A_23 : memref<100352x128xf32, #tpu.memory_space<hbm>>) dst(%arg9 : memref<128x128xf32, #tpu.memory_space<vmem>>)
      "tpu.region"() ({
        %run_scoped3A = tpu.sem_alloc : memref<!tpu.dma_semaphore, #tpu.memory_space<semaphore_mem>>
        %dma_start3A_24 = arith.constant 0 : i32
        %dma_start3A_25 = tpu.memref_slice %arg6[%add3A_19, %dma_start3A_24] : memref<131072x128xf32, #tpu.memory_space<hbm>> -> memref<128x128xf32, #tpu.memory_space<hbm>>
        %dma_start3A_26 = arith.constant 0 : i32
        %dma_start3A_27 = tpu.memref_slice %arg6[%add3A_19, %dma_start3A_26] : memref<131072x128xf32, #tpu.memory_space<hbm>> -> memref<128x128xf32, #tpu.memory_space<hbm>>
        tpu.enqueue_dma source(%arg9 : memref<128x128xf32, #tpu.memory_space<vmem>>) target(%dma_start3A_27 : memref<128x128xf32, #tpu.memory_space<hbm>>) target_semaphore(%run_scoped3A : memref<!tpu.dma_semaphore, #tpu.memory_space<semaphore_mem>>)
        %dma_wait3A_28 = arith.constant 0 : i32
        %dma_wait3A_29 = tpu.memref_slice %arg6[%add3A_19, %dma_wait3A_28] : memref<131072x128xf32, #tpu.memory_space<hbm>> -> memref<128x128xf32, #tpu.memory_space<hbm>>
        %dma_wait3A_30 = arith.constant 0 : i32
        %dma_wait3A_31 = tpu.memref_slice %arg6[%add3A_19, %dma_wait3A_30] : memref<131072x128xf32, #tpu.memory_space<hbm>> -> memref<128x128xf32, #tpu.memory_space<hbm>>
        tpu.wait_dma2 semaphore(%run_scoped3A : memref<!tpu.dma_semaphore, #tpu.memory_space<semaphore_mem>>) src(%arg9 : memref<128x128xf32, #tpu.memory_space<vmem>>) dst(%dma_wait3A_31 : memref<128x128xf32, #tpu.memory_space<hbm>>)
        tpu.yield
      }) : () -> ()
    }
    %scan3A_7 = arith.constant 32 : i32
    %mul3A_8 = arith.constant 512 : i32
    %mul3A_9 = arith.muli %add3A, %mul3A_8 : i32
    %scan3A_10 = arith.constant 0 : i32
    %scan3A_11 = arith.constant 0 : i32
    %scan3A_12 = arith.constant 4 : i32
    %scan3A_13 = arith.addi %scan3A_11, %scan3A_12 : i32
    %scan3A_14 = arith.constant 1 : i32
    scf.for %scan3A_16 = %scan3A_11 to %scan3A_13 step %scan3A_14  : i32 {
      %mul3A_17 = arith.constant 128 : i32
      %mul3A_18 = arith.muli %scan3A_16, %mul3A_17 : i32
      %add3A_19 = arith.addi %mul3A_9, %mul3A_18 : i32
      "tpu.region"() ({
        %run_scoped3A = tpu.sem_alloc : memref<!tpu.dma_semaphore, #tpu.memory_space<semaphore_mem>>
        %dma_start3A_24 = tpu.memref_slice %arg4[%add3A_19] : memref<16384xi32, #tpu.memory_space<hbm>> -> memref<128xi32, #tpu.memory_space<hbm>>
        %dma_start3A_25 = tpu.memref_slice %arg4[%add3A_19] : memref<16384xi32, #tpu.memory_space<hbm>> -> memref<128xi32, #tpu.memory_space<hbm>>
        tpu.enqueue_dma source(%dma_start3A_25 : memref<128xi32, #tpu.memory_space<hbm>>) target(%arg10 : memref<128xi32, #tpu.memory_space<vmem>>) target_semaphore(%run_scoped3A : memref<!tpu.dma_semaphore, #tpu.memory_space<semaphore_mem>>)
        %dma_wait3A_26 = tpu.memref_slice %arg4[%add3A_19] : memref<16384xi32, #tpu.memory_space<hbm>> -> memref<128xi32, #tpu.memory_space<hbm>>
        %dma_wait3A_27 = tpu.memref_slice %arg4[%add3A_19] : memref<16384xi32, #tpu.memory_space<hbm>> -> memref<128xi32, #tpu.memory_space<hbm>>
        tpu.wait_dma2 semaphore(%run_scoped3A : memref<!tpu.dma_semaphore, #tpu.memory_space<semaphore_mem>>) src(%dma_wait3A_27 : memref<128xi32, #tpu.memory_space<hbm>>) dst(%arg10 : memref<128xi32, #tpu.memory_space<vmem>>)
        tpu.yield
      }) : () -> ()
      %dma_start3A = arith.constant 0 : i32
      %dma_start3A_20 = arith.constant 0 : i32
      %dma_start3A_21 = tpu.memref_slice %arg5[%dma_start3A, %dma_start3A_20] : memref<12544x128xf32, #tpu.memory_space<hbm>> -> memref<12544x128xf32, #tpu.memory_space<hbm>>
      tpu.enqueue_indirect_dma source(%dma_start3A_21 : memref<12544x128xf32, #tpu.memory_space<hbm>>) target(%arg11 : memref<128x128xf32, #tpu.memory_space<vmem>>) offsets(%arg10 : memref<128xi32, #tpu.memory_space<vmem>>) semaphore(%arg12 : memref<!tpu.dma_semaphore, #tpu.memory_space<semaphore_mem>>)
      %dma_wait3A = arith.constant 0 : i32
      %dma_wait3A_22 = arith.constant 0 : i32
      %dma_wait3A_23 = tpu.memref_slice %arg5[%dma_wait3A, %dma_wait3A_22] : memref<12544x128xf32, #tpu.memory_space<hbm>> -> memref<12544x128xf32, #tpu.memory_space<hbm>>
      tpu.wait_indirect_dma semaphore(%arg12 : memref<!tpu.dma_semaphore, #tpu.memory_space<semaphore_mem>>) src(%dma_wait3A_23 : memref<12544x128xf32, #tpu.memory_space<hbm>>) dst(%arg11 : memref<128x128xf32, #tpu.memory_space<vmem>>)
      "tpu.region"() ({
        %run_scoped3A = tpu.sem_alloc : memref<!tpu.dma_semaphore, #tpu.memory_space<semaphore_mem>>
        %dma_start3A_24 = arith.constant 0 : i32
        %dma_start3A_25 = tpu.memref_slice %arg7[%add3A_19, %dma_start3A_24] : memref<16384x128xf32, #tpu.memory_space<hbm>> -> memref<128x128xf32, #tpu.memory_space<hbm>>
        %dma_start3A_26 = arith.constant 0 : i32
        %dma_start3A_27 = tpu.memref_slice %arg7[%add3A_19, %dma_start3A_26] : memref<16384x128xf32, #tpu.memory_space<hbm>> -> memref<128x128xf32, #tpu.memory_space<hbm>>
        tpu.enqueue_dma source(%arg11 : memref<128x128xf32, #tpu.memory_space<vmem>>) target(%dma_start3A_27 : memref<128x128xf32, #tpu.memory_space<hbm>>) target_semaphore(%run_scoped3A : memref<!tpu.dma_semaphore, #tpu.memory_space<semaphore_mem>>)
        %dma_wait3A_28 = arith.constant 0 : i32
        %dma_wait3A_29 = tpu.memref_slice %arg7[%add3A_19, %dma_wait3A_28] : memref<16384x128xf32, #tpu.memory_space<hbm>> -> memref<128x128xf32, #tpu.memory_space<hbm>>
        %dma_wait3A_30 = arith.constant 0 : i32
        %dma_wait3A_31 = tpu.memref_slice %arg7[%add3A_19, %dma_wait3A_30] : memref<16384x128xf32, #tpu.memory_space<hbm>> -> memref<128x128xf32, #tpu.memory_space<hbm>>
        tpu.wait_dma2 semaphore(%run_scoped3A : memref<!tpu.dma_semaphore, #tpu.memory_space<semaphore_mem>>) src(%arg11 : memref<128x128xf32, #tpu.memory_space<vmem>>) dst(%dma_wait3A_31 : memref<128x128xf32, #tpu.memory_space<hbm>>)
        tpu.yield
      }) : () -> ()
    }
    %scan3A_15 = arith.constant 4 : i32
    return
  }
}

module attributes {stable_mosaic.version = 14 : i64} {
  func.func @_phase_a_body(%arg0: i32, %arg1: i32, %arg2: memref<1x1024xf32, #tpu.memory_space<vmem>>, %arg3: memref<896x1xf32, #tpu.memory_space<vmem>>, %arg4: memref<1024x128xf32, #tpu.memory_space<vmem>>, %arg5: memref<896x128xf32, #tpu.memory_space<vmem>>, %arg6: memref<896x1024xf32, #tpu.memory_space<vmem>>) attributes {dimension_semantics = [#tpu.dimension_semantics<arbitrary>, #tpu.dimension_semantics<arbitrary>], iteration_bounds = array<i64: 14, 8>, scalar_prefetch = 0 : i64, scratch_operands = 0 : i64, tpu.core_type = #tpu.core_type<tc>, window_params = [{pipeline_mode = #tpu.pipeline_mode<synchronous>, transform_indices = @transform_0, window_bounds = array<i64: 1, 1024>}, {transform_indices = @transform_1, window_bounds = array<i64: 896, 1>}, {pipeline_mode = #tpu.pipeline_mode<synchronous>, transform_indices = @transform_2, window_bounds = array<i64: 1024, 128>}, {transform_indices = @transform_3, window_bounds = array<i64: 896, 128>}, {transform_indices = @transform_4, window_bounds = array<i64: 896, 1024>}]} {
    %get3A = arith.constant 0 : index
    %get3A_0 = arith.constant 0 : index
    %get3A_1 = vector.load %arg5[%get3A, %get3A_0] : memref<896x128xf32, #tpu.memory_space<vmem>>, vector<896x128xf32>
    %get3A_2 = arith.constant 0 : index
    %get3A_3 = arith.constant 0 : index
    %get3A_4 = vector.load %arg4[%get3A_2, %get3A_3] : memref<1024x128xf32, #tpu.memory_space<vmem>>, vector<1024x128xf32>
    %dot_general3A = arith.constant dense<0.000000e+00> : vector<896x1024xf32>
    %dot_general3A_5 = tpu.matmul %get3A_1, %get3A_4, %dot_general3A {dimension_numbers = #tpu.dot_dimension_numbers<[1], [1], [0], [0], [0, 0, 1, 0], [], []>, transpose_lhs_hint = false} : vector<896x128xf32>, vector<1024x128xf32>, vector<896x1024xf32> -> vector<896x1024xf32>
    %get3A_6 = arith.constant 0 : index
    %get3A_7 = arith.constant 0 : index
    %get3A_8 = vector.load %arg3[%get3A_6, %get3A_7] : memref<896x1xf32, #tpu.memory_space<vmem>>, vector<896x1xf32>
    %get3A_9 = arith.constant 0 : index
    %get3A_10 = arith.constant 0 : index
    %get3A_11 = vector.load %arg2[%get3A_9, %get3A_10] : memref<1x1024xf32, #tpu.memory_space<vmem>>, vector<1x1024xf32>
    %add3A = vector.broadcast %get3A_8 : vector<896x1xf32> to vector<896x1024xf32>
    %add3A_12 = vector.broadcast %get3A_11 : vector<1x1024xf32> to vector<896x1024xf32>
    %add3A_13 = arith.addf %add3A, %add3A_12 : vector<896x1024xf32>
    %mul3A = arith.constant 2.000000e+00 : f32
    %mul3A_14 = vector.broadcast %mul3A : f32 to vector<896x1024xf32>
    %mul3A_15 = arith.mulf %mul3A_14, %dot_general3A_5 : vector<896x1024xf32>
    %sub3A = arith.subf %add3A_13, %mul3A_15 : vector<896x1024xf32>
    %eq3A = arith.constant 0 : i32
    %eq3A_16 = arith.cmpi eq, %arg1, %eq3A : i32
    %convert_element_type3A = arith.extui %eq3A_16 : i1 to i32
    %cond3A = arith.constant 0 : i32
    %cond3A_17 = arith.cmpi ne, %convert_element_type3A, %cond3A : i32
    scf.if %cond3A_17 {
      %swap3A = arith.constant 0 : index
      %swap3A_22 = arith.constant 0 : index
      %swap3A_23 = vector.load %arg6[%swap3A, %swap3A_22] : memref<896x1024xf32, #tpu.memory_space<vmem>>, vector<896x1024xf32>
      tpu.vector_store %arg6[%swap3A, %swap3A_22], %sub3A {strides = array<i32>} : memref<896x1024xf32, #tpu.memory_space<vmem>>, vector<896x1024xf32>,
    } else {
    }
    %gt3A = arith.constant 0 : i32
    %gt3A_18 = arith.cmpi sgt, %arg1, %gt3A : i32
    %convert_element_type3A_19 = arith.extui %gt3A_18 : i1 to i32
    %cond3A_20 = arith.constant 0 : i32
    %cond3A_21 = arith.cmpi ne, %convert_element_type3A_19, %cond3A_20 : i32
    scf.if %cond3A_21 {
      %get3A_22 = arith.constant 0 : index
      %get3A_23 = arith.constant 0 : index
      %get3A_24 = vector.load %arg6[%get3A_22, %get3A_23] : memref<896x1024xf32, #tpu.memory_space<vmem>>, vector<896x1024xf32>
      %min3A = arith.minimumf %get3A_24, %sub3A : vector<896x1024xf32>
      %swap3A = arith.constant 0 : index
      %swap3A_25 = arith.constant 0 : index
      %swap3A_26 = vector.load %arg6[%swap3A, %swap3A_25] : memref<896x1024xf32, #tpu.memory_space<vmem>>, vector<896x1024xf32>
      tpu.vector_store %arg6[%swap3A, %swap3A_25], %min3A {strides = array<i32>} : memref<896x1024xf32, #tpu.memory_space<vmem>>, vector<896x1024xf32>,
    } else {
    }
    return
  }
  func.func @transform_0(%arg0: i32, %arg1: i32) -> (i32, i32) {
    %c0_i32 = arith.constant 0 : i32
    %c0_i32_0 = arith.constant 0 : i32
    %c0_i32_1 = arith.constant 0 : i32
    return %c0_i32, %c0_i32_0 : i32, i32
  }
  func.func @transform_1(%arg0: i32, %arg1: i32) -> (i32, i32) {
    %mul3A = arith.constant 14 : i32
    %mul3A_0 = arith.muli %arg1, %mul3A : i32
    %add3A = arith.addi %mul3A_0, %arg0 : i32
    %c0_i32 = arith.constant 0 : i32
    %c0_i32_1 = arith.constant 0 : i32
    return %add3A, %c0_i32 : i32, i32
  }
  func.func @transform_2(%arg0: i32, %arg1: i32) -> (i32, i32) {
    %c0_i32 = arith.constant 0 : i32
    %c0_i32_0 = arith.constant 0 : i32
    %c0_i32_1 = arith.constant 0 : i32
    return %c0_i32, %c0_i32_0 : i32, i32
  }
  func.func @transform_3(%arg0: i32, %arg1: i32) -> (i32, i32) {
    %mul3A = arith.constant 14 : i32
    %mul3A_0 = arith.muli %arg1, %mul3A : i32
    %add3A = arith.addi %mul3A_0, %arg0 : i32
    %c0_i32 = arith.constant 0 : i32
    %c0_i32_1 = arith.constant 0 : i32
    return %add3A, %c0_i32 : i32, i32
  }
  func.func @transform_4(%arg0: i32, %arg1: i32) -> (i32, i32) {
    %c0_i32 = arith.constant 0 : i32
    %c0_i32_0 = arith.constant 0 : i32
    return %arg0, %c0_i32 : i32, i32
  }
}

module attributes {stable_mosaic.version = 14 : i64} {
  func.func @_phase_b_body(%arg0: i32, %arg1: memref<12544x128xf32, #tpu.memory_space<vmem>>, %arg2: memref<16x128xi32, #tpu.memory_space<vmem>>, %arg3: memref<16x128xi32, #tpu.memory_space<vmem>>) attributes {dimension_semantics = [#tpu.dimension_semantics<arbitrary>], iteration_bounds = array<i64: 8>, scalar_prefetch = 0 : i64, scratch_operands = 1 : i64, tpu.core_type = #tpu.core_type<tc>, window_params = [{transform_indices = @transform_0, window_bounds = array<i64: 12544, 128>}, {transform_indices = @transform_1, window_bounds = array<i64: 16, 128>}]} {
    %scan3A = arith.constant 0 : i32
    %scan3A_0 = arith.constant 16 : i32
    %scan3A_1 = arith.addi %scan3A, %scan3A_0 : i32
    %scan3A_2 = arith.constant 1 : i32
    scf.for %scan3A_8 = %scan3A to %scan3A_1 step %scan3A_2  : i32 {
      %iota3A = tpu.iota {dimensions = array<i32: 0>} : vector<12544x128xi32>
      %get3A_9 = arith.constant 0 : index
      %get3A_10 = arith.constant 0 : index
      %get3A_11 = vector.load %arg1[%get3A_9, %get3A_10] : memref<12544x128xf32, #tpu.memory_space<vmem>>, vector<12544x128xf32>
      %reduce_min3A = arith.constant dense<0x7F800000> : vector<128xf32>
      %reduce_min3A_12 = vector.multi_reduction <minimumf>, %get3A_11, %reduce_min3A [0] : vector<12544x128xf32> to vector<128xf32>
      %broadcast_in_dim3A = vector.shape_cast %reduce_min3A_12 : vector<128xf32> to vector<1x128xf32>
      %get3A_13 = arith.constant 0 : index
      %get3A_14 = arith.constant 0 : index
      %get3A_15 = vector.load %arg1[%get3A_13, %get3A_14] : memref<12544x128xf32, #tpu.memory_space<vmem>>, vector<12544x128xf32>
      %eq3A = vector.broadcast %broadcast_in_dim3A : vector<1x128xf32> to vector<12544x128xf32>
      %eq3A_16 = arith.cmpf oeq, %get3A_15, %eq3A : vector<12544x128xf32>
      %jit3A = arith.constant 12544 : i32
      %broadcast_in_dim3A_17 = vector.broadcast %jit3A : i32 to vector<12544x128xi32>
      %select_n3A = arith.select %eq3A_16, %iota3A, %broadcast_in_dim3A_17 : vector<12544x128xi1>, vector<12544x128xi32>
      %reduce_min3A_18 = arith.constant dense<2147483647> : vector<128xi32>
      %reduce_min3A_19 = vector.multi_reduction <minsi>, %select_n3A, %reduce_min3A_18 [0] : vector<12544x128xi32> to vector<128xi32>
      %broadcast_in_dim3A_20 = vector.shape_cast %reduce_min3A_19 : vector<128xi32> to vector<1x128xi32>
      %swap3A_21 = arith.index_cast %scan3A_8 : i32 to index
      %swap3A_22 = arith.constant 0 : index
      %swap3A_23 = vector.load %arg3[%swap3A_21, %swap3A_22] : memref<16x128xi32, #tpu.memory_space<vmem>>, vector<1x128xi32>
      tpu.vector_store %arg3[%swap3A_21, %swap3A_22], %broadcast_in_dim3A_20 {strides = array<i32>} : memref<16x128xi32, #tpu.memory_space<vmem>>, vector<1x128xi32>,
      %eq3A_24 = vector.broadcast %broadcast_in_dim3A_20 : vector<1x128xi32> to vector<12544x128xi32>
      %eq3A_25 = arith.cmpi eq, %iota3A, %eq3A_24 : vector<12544x128xi32>
      %get3A_26 = arith.constant 0 : index
      %get3A_27 = arith.constant 0 : index
      %get3A_28 = vector.load %arg1[%get3A_26, %get3A_27] : memref<12544x128xf32, #tpu.memory_space<vmem>>, vector<12544x128xf32>
      %jit3A_29 = arith.constant 3.000000e+38 : f32
      %broadcast_in_dim3A_30 = vector.broadcast %jit3A_29 : f32 to vector<12544x128xf32>
      %select_n3A_31 = arith.select %eq3A_25, %broadcast_in_dim3A_30, %get3A_28 : vector<12544x128xi1>, vector<12544x128xf32>
      %swap3A_32 = arith.constant 0 : index
      %swap3A_33 = arith.constant 0 : index
      %swap3A_34 = vector.load %arg1[%swap3A_32, %swap3A_33] : memref<12544x128xf32, #tpu.memory_space<vmem>>, vector<12544x128xf32>
      tpu.vector_store %arg1[%swap3A_32, %swap3A_33], %select_n3A_31 {strides = array<i32>} : memref<12544x128xf32, #tpu.memory_space<vmem>>, vector<12544x128xf32>,
    }
    %scan3A_3 = arith.constant 16 : i32
    %get3A = arith.constant 0 : index
    %get3A_4 = arith.constant 0 : index
    %get3A_5 = vector.load %arg3[%get3A, %get3A_4] : memref<16x128xi32, #tpu.memory_space<vmem>>, vector<16x128xi32>
    %swap3A = arith.constant 0 : index
    %swap3A_6 = arith.constant 0 : index
    %swap3A_7 = vector.load %arg2[%swap3A, %swap3A_6] : memref<16x128xi32, #tpu.memory_space<vmem>>, vector<16x128xi32>
    tpu.vector_store %arg2[%swap3A, %swap3A_6], %get3A_5 {strides = array<i32>} : memref<16x128xi32, #tpu.memory_space<vmem>>, vector<16x128xi32>,
    return
  }
  func.func @transform_0(%arg0: i32) -> (i32, i32) {
    %c0_i32 = arith.constant 0 : i32
    %c0_i32_0 = arith.constant 0 : i32
    return %c0_i32, %arg0 : i32, i32
  }
  func.func @transform_1(%arg0: i32) -> (i32, i32) {
    %c0_i32 = arith.constant 0 : i32
    %c0_i32_0 = arith.constant 0 : i32
    return %c0_i32, %arg0 : i32, i32
  }
}

module attributes {stable_mosaic.version = 14 : i64} {
  func.func @_phase_d_body(%arg0: i32, %arg1: memref<128x128xf32, #tpu.memory_space<vmem>>, %arg2: memref<16384x128xf32, #tpu.memory_space<vmem>>, %arg3: memref<128x128xf32, #tpu.memory_space<vmem>>, %arg4: memref<128x128xf32, #tpu.memory_space<vmem>>, %arg5: memref<128x128xi32, #tpu.memory_space<vmem>>, %arg6: memref<1x128xf32, #tpu.memory_space<vmem>>, %arg7: memref<1x128xf32, #tpu.memory_space<vmem>>) attributes {dimension_semantics = [#tpu.dimension_semantics<arbitrary>], iteration_bounds = array<i64: 8>, scalar_prefetch = 0 : i64, scratch_operands = 0 : i64, tpu.core_type = #tpu.core_type<tc>, window_params = [{transform_indices = @transform_0, window_bounds = array<i64: 128, 128>}, {transform_indices = @transform_1, window_bounds = array<i64: 16384, 128>}, {transform_indices = @transform_2, window_bounds = array<i64: 128, 128>}, {transform_indices = @transform_3, window_bounds = array<i64: 128, 128>}, {transform_indices = @transform_4, window_bounds = array<i64: 128, 128>}, {transform_indices = @transform_5, window_bounds = array<i64: 1, 128>}, {transform_indices = @transform_6, window_bounds = array<i64: 1, 128>}]} {
    %get3A = arith.constant 0 : index
    %get3A_0 = arith.constant 0 : index
    %get3A_1 = vector.load %arg2[%get3A, %get3A_0] : memref<16384x128xf32, #tpu.memory_space<vmem>>, vector<16384x128xf32>
    %get3A_2 = arith.constant 0 : index
    %get3A_3 = arith.constant 0 : index
    %get3A_4 = vector.load %arg1[%get3A_2, %get3A_3] : memref<128x128xf32, #tpu.memory_space<vmem>>, vector<128x128xf32>
    %dot_general3A = arith.constant dense<0.000000e+00> : vector<16384x128xf32>
    %dot_general3A_5 = tpu.matmul %get3A_1, %get3A_4, %dot_general3A {dimension_numbers = #tpu.dot_dimension_numbers<[1], [1], [0], [0], [0, 0, 1, 0], [], []>, transpose_lhs_hint = false} : vector<16384x128xf32>, vector<128x128xf32>, vector<16384x128xf32> -> vector<16384x128xf32>
    %reshape3A = vector.shape_cast %dot_general3A_5 : vector<16384x128xf32> to vector<128x128x128xf32>
    %iota3A = tpu.iota {dimensions = array<i32: 0>} : vector<128x128x128xi32>
    %iota3A_6 = tpu.iota {dimensions = array<i32: 2>} : vector<128x128x128xi32>
    %eq3A = arith.cmpi eq, %iota3A, %iota3A_6 : vector<128x128x128xi32>
    %jit3A = arith.constant 0.000000e+00 : f32
    %broadcast_in_dim3A = vector.broadcast %jit3A : f32 to vector<128x128x128xf32>
    %select_n3A = arith.select %eq3A, %reshape3A, %broadcast_in_dim3A : vector<128x128x128xi1>, vector<128x128x128xf32>
    %reduce_sum3A = arith.constant dense<0.000000e+00> : vector<128x128xf32>
    %reduce_sum3A_7 = vector.multi_reduction <add>, %select_n3A, %reduce_sum3A [0] : vector<128x128x128xf32> to vector<128x128xf32>
    %get3A_8 = arith.constant 0 : index
    %get3A_9 = arith.constant 0 : index
    %get3A_10 = vector.load %arg6[%get3A_8, %get3A_9] : memref<1x128xf32, #tpu.memory_space<vmem>>, vector<1x128xf32>
    %get3A_11 = arith.constant 0 : index
    %get3A_12 = arith.constant 0 : index
    %get3A_13 = vector.load %arg4[%get3A_11, %get3A_12] : memref<128x128xf32, #tpu.memory_space<vmem>>, vector<128x128xf32>
    %add3A = vector.broadcast %get3A_10 : vector<1x128xf32> to vector<128x128xf32>
    %add3A_14 = arith.addf %add3A, %get3A_13 : vector<128x128xf32>
    %mul3A = arith.constant 2.000000e+00 : f32
    %mul3A_15 = vector.broadcast %mul3A : f32 to vector<128x128xf32>
    %mul3A_16 = arith.mulf %mul3A_15, %reduce_sum3A_7 : vector<128x128xf32>
    %sub3A = arith.subf %add3A_14, %mul3A_16 : vector<128x128xf32>
    %max3A = arith.constant 0.000000e+00 : f32
    %max3A_17 = vector.broadcast %max3A : f32 to vector<128x128xf32>
    %max3A_18 = arith.maximumf %sub3A, %max3A_17 : vector<128x128xf32>
    %sqrt3A = math.sqrt %max3A_18 : vector<128x128xf32>
    %get3A_19 = arith.constant 0 : index
    %get3A_20 = arith.constant 0 : index
    %get3A_21 = vector.load %arg3[%get3A_19, %get3A_20] : memref<128x128xf32, #tpu.memory_space<vmem>>, vector<128x128xf32>
    %get3A_22 = arith.constant 0 : index
    %get3A_23 = arith.constant 0 : index
    %get3A_24 = vector.load %arg5[%get3A_22, %get3A_23] : memref<128x128xi32, #tpu.memory_space<vmem>>, vector<128x128xi32>
    %broadcast_in_dim3A_25 = arith.constant 0.000000e+00 : f32
    %broadcast_in_dim3A_26 = vector.broadcast %broadcast_in_dim3A_25 : f32 to vector<1x128xf32>
    %scan3A = arith.constant 0 : i32
    %scan3A_27 = arith.constant 16 : i32
    %scan3A_28 = arith.addi %scan3A, %scan3A_27 : i32
    %scan3A_29 = arith.constant 1 : i32
    %scan3A_30:2 = scf.for %scan3A_35 = %scan3A to %scan3A_28 step %scan3A_29 iter_args(%scan3A_36 = %sqrt3A, %scan3A_37 = %broadcast_in_dim3A_26) -> (vector<128x128xf32>, vector<1x128xf32>)  : i32 {
      %reduce_min3A = arith.constant dense<0x7F800000> : vector<128xf32>
      %reduce_min3A_38 = vector.multi_reduction <minimumf>, %scan3A_36, %reduce_min3A [0] : vector<128x128xf32> to vector<128xf32>
      %broadcast_in_dim3A_39 = vector.shape_cast %reduce_min3A_38 : vector<128xf32> to vector<1x128xf32>
      %eq3A_40 = vector.broadcast %broadcast_in_dim3A_39 : vector<1x128xf32> to vector<128x128xf32>
      %eq3A_41 = arith.cmpf oeq, %scan3A_36, %eq3A_40 : vector<128x128xf32>
      %jit3A_42 = arith.constant 1073741824 : i32
      %broadcast_in_dim3A_43 = vector.broadcast %jit3A_42 : i32 to vector<128x128xi32>
      %select_n3A_44 = arith.select %eq3A_41, %get3A_24, %broadcast_in_dim3A_43 : vector<128x128xi1>, vector<128x128xi32>
      %reduce_min3A_45 = arith.constant dense<2147483647> : vector<128xi32>
      %reduce_min3A_46 = vector.multi_reduction <minsi>, %select_n3A_44, %reduce_min3A_45 [0] : vector<128x128xi32> to vector<128xi32>
      %broadcast_in_dim3A_47 = vector.shape_cast %reduce_min3A_46 : vector<128xi32> to vector<1x128xi32>
      %eq3A_48 = vector.broadcast %broadcast_in_dim3A_47 : vector<1x128xi32> to vector<128x128xi32>
      %eq3A_49 = arith.cmpi eq, %get3A_24, %eq3A_48 : vector<128x128xi32>
      %jit3A_50 = arith.constant 0.000000e+00 : f32
      %broadcast_in_dim3A_51 = vector.broadcast %jit3A_50 : f32 to vector<128x128xf32>
      %select_n3A_52 = arith.select %eq3A_49, %get3A_21, %broadcast_in_dim3A_51 : vector<128x128xi1>, vector<128x128xf32>
      %reduce_sum3A_53 = arith.constant dense<0.000000e+00> : vector<128xf32>
      %reduce_sum3A_54 = vector.multi_reduction <add>, %select_n3A_52, %reduce_sum3A_53 [0] : vector<128x128xf32> to vector<128xf32>
      %broadcast_in_dim3A_55 = vector.shape_cast %reduce_sum3A_54 : vector<128xf32> to vector<1x128xf32>
      %add3A_56 = arith.addf %scan3A_37, %broadcast_in_dim3A_55 : vector<1x128xf32>
      %jit3A_57 = arith.constant 3.000000e+38 : f32
      %broadcast_in_dim3A_58 = vector.broadcast %jit3A_57 : f32 to vector<128x128xf32>
      %select_n3A_59 = arith.select %eq3A_49, %broadcast_in_dim3A_58, %scan3A_36 : vector<128x128xi1>, vector<128x128xf32>
      scf.yield %select_n3A_59, %add3A_56 : vector<128x128xf32>, vector<1x128xf32>
    }
    %div3A = arith.constant 1.600000e+01 : f32
    %div3A_31 = vector.broadcast %div3A : f32 to vector<1x128xf32>
    %div3A_32 = arith.divf %scan3A_30#1, %div3A_31 : vector<1x128xf32>
    %swap3A = arith.constant 0 : index
    %swap3A_33 = arith.constant 0 : index
    %swap3A_34 = vector.load %arg7[%swap3A, %swap3A_33] : memref<1x128xf32, #tpu.memory_space<vmem>>, vector<1x128xf32>
    tpu.vector_store %arg7[%swap3A, %swap3A_33], %div3A_32 {strides = array<i32>} : memref<1x128xf32, #tpu.memory_space<vmem>>, vector<1x128xf32>,
    return
  }
  func.func @transform_0(%arg0: i32) -> (i32, i32) {
    %c0_i32 = arith.constant 0 : i32
    %c0_i32_0 = arith.constant 0 : i32
    return %arg0, %c0_i32 : i32, i32
  }
  func.func @transform_1(%arg0: i32) -> (i32, i32) {
    %c0_i32 = arith.constant 0 : i32
    %c0_i32_0 = arith.constant 0 : i32
    return %arg0, %c0_i32 : i32, i32
  }
  func.func @transform_2(%arg0: i32) -> (i32, i32) {
    %c0_i32 = arith.constant 0 : i32
    %c0_i32_0 = arith.constant 0 : i32
    return %c0_i32, %arg0 : i32, i32
  }
  func.func @transform_3(%arg0: i32) -> (i32, i32) {
    %c0_i32 = arith.constant 0 : i32
    %c0_i32_0 = arith.constant 0 : i32
    return %c0_i32, %arg0 : i32, i32
  }
  func.func @transform_4(%arg0: i32) -> (i32, i32) {
    %c0_i32 = arith.constant 0 : i32
    %c0_i32_0 = arith.constant 0 : i32
    return %c0_i32, %arg0 : i32, i32
  }
  func.func @transform_5(%arg0: i32) -> (i32, i32) {
    %c0_i32 = arith.constant 0 : i32
    %c0_i32_0 = arith.constant 0 : i32
    return %c0_i32, %arg0 : i32, i32
  }
  func.func @transform_6(%arg0: i32) -> (i32, i32) {
    %c0_i32 = arith.constant 0 : i32
    %c0_i32_0 = arith.constant 0 : i32
    return %c0_i32, %arg0 : i32, i32
  }
}

</mosaic_0001>

<sc_bundles>
// kernel: kernel.6.cloned.1.call-start
scs
__scs_entry_jumppad:
0x0: {  	(pc) =	sbr.rel $0x88, $3  }
0x1: {  	(tag) =	ssettag $0x0;
	lr =	simm.s32 $0x1  }
0x2: {  	[smem:$0x3F9E] =	sst lr;
	_ =	strace $0xD0000000  }
0x3: {  	_ = 	snop  }
0x4: {  	_ = 	snop  }
0x5: {  	_ = 	snop  }
0x6: {  	_ = 	snop  }
0x7: {  	_ = 	snop  }
__scs_overlays_trampoline_lowered:
0x8: {  	[smem:$0x3FAD] =	sst s0  }
0x9: {  	[smem:$0x3FAE] =	sst s1  }
0xa: {  	[smem:$0x3FAF] =	sst s2  }
0xb: {  	[smem:$0x3FB0] =	sst s3  }
0xc: {  	[smem:$0x3FB1] =	sst s4  }
0xd: {  	[smem:$0x3FB2] =	sst s5  }
0xe: {  	[smem:$0x3FB3] =	sst s6  }
0xf: {  	[smem:$0x3FB4] =	sst s7  }
0x10: {  	[smem:$0x3FB5] =	sst s8  }
0x11: {  	[smem:$0x3FB6] =	sst s9;
	s0 =	simm.s32 @!p0 $0x0  }
0x12: {  	s1 =	sld [smem:$0x3F9C];
	s0 =	simm.s32 @p0 $0x1  }
0x13: {  	[smem:$0x3FB7] =	sst s0;
	s0 =	simm.s32 @!p1 $0x0  }
0x14: {  	s2 =	sld [smem:$0x3F9B];
	s0 =	simm.s32 @p1 $0x1  }
0x15: {  	[smem:$0x3FB8] =	sst s0;
	s0 =	simm.s32 @!p2 $0x0  }
0x16: {  	s3 =	sld [smem:$0x3FDB];
	s0 =	simm.s32 @p2 $0x1  }
0x17: {  	s4 =	simm.s32 $0x1BF5;
	[smem:$0x3FBA] =	sst s0  }
0x18: {  	s0 =	sld [smem:$0x3F9D];
	_ =	swait.ge [sflag:s4], $0x0  }
0x19: {  	s7 =	sld [smem:$0x3F9E]  }
0x1a: {  	s8 =	sadd.s32 $0xFFFFE003, lr  }
0x1b: {  	s9 =	sadd.s32 $0xFFFFFEF7, lr;
	s5 =	simm.s32 $0xFFFFFFFF;
	p2 =	slt.u32 s8, $0xFFFFF086  }
0x1c: {  	p1 =	slt.u32 s9, $0xF7A;
	s5 =	simm.s32 @!p2 $0x0  }
0x1d: {  	s5 =	simm.s32 @p1 $0x1;
	p0 =	seq.s32 s7, s2  }
0x1e: {  	s7 =	smul.u32 @!p0 $0xF7A, s2;
	p2 =	seq.s32 @!p0 s5, $0x0  }
0x1f: {  	s9 =	smul.u32 $0xF7A, s1;
	s8 =	simm.s32 @!p0 $0x1BF5;
	p2 =	por !p2, p0  }
0x20: {  	[sflag:s8] =	ssyncset.s32 @!p0 $0xFFFFF086;
	s6 =	sadd.s32 @!p0 s3, s7;
	s7 =	simm.s32 @!p0 $0x108  }
0x21: {  	s3 =	sadd.s32 s3, s9;
	s6 =	sadd.s32 @!p0 $0x88, s6;
	s7 =	simm.s32 @p2 $0x1082  }
0x22: {  	[simem:s7], [sflag:s8] =	dma.local @!p0 [hbm:s6], $0xF7A  }
0x23: {  	s9 =	sor.u32 $0xD0000000, s2;
	s6 =	simm.s32 $0x108;
	_ =	swait.ge @!p0 [sflag:s8], $0x0  }
0x24: {  	s3 =	sadd.s32 $0x88, s3;
	s6 =	simm.s32 @!p1 $0x1082;
	[sflag:s4] =	ssyncset.s32 $0xFFFFF086  }
0x25: {  	[simem:s6], [sflag:s4] =	dma.local [hbm:s3], $0xF7A  }
0x26: {  	[smem:$0x3F9E] =	sst s1;
	(tag) =	ssettag s2;
	_ =	strace s9  }
0x27: {  	s1 =	sld [smem:$0x3FAE]  }
0x28: {  	s2 =	sld [smem:$0x3FAF]  }
0x29: {  	s4 =	sld [smem:$0x3FB1]  }
0x2a: {  	p0 =	seq.s32 s5, $0x0;
	s5 =	sld [smem:$0x3FB2]  }
0x2b: {  	s6 =	sld [smem:$0x3FB3]  }
0x2c: {  	s7 =	sld [smem:$0x3FB4]  }
0x2d: {  	s3 =	simm.s32 $0x108;
	s8 =	sld [smem:$0x3FB5]  }
0x2e: {  	s3 =	simm.s32 @!p0 $0x1082;
	s9 =	sld [smem:$0x3FB6]  }
0x2f: {  	lr =	sadd.s32 s0, s3;
	s0 =	sld [smem:$0x3FAD]  }
0x30: {  	s3 =	sld [smem:$0x3FB0]  }
0x31: {  	[smem:$0x3FB9] =	sst s10  }
0x32: {  	s10 =	sld [smem:$0x3FB7];
	_ =	sdelay $0x3  }
0x33: {  	p0 =	seq.s32 s10, $0x1;
	s10 =	sld [smem:$0x3FB9];
	_ =	sdelay $0x3  }
0x34: {  	[smem:$0x3FB9] =	sst s10  }
0x35: {  	s10 =	sld [smem:$0x3FB8];
	_ =	sdelay $0x3  }
0x36: {  	p1 =	seq.s32 s10, $0x1;
	s10 =	sld [smem:$0x3FB9];
	_ =	sdelay $0x3  }
0x37: {  	[smem:$0x3FB9] =	sst s10  }
0x38: {  	s10 =	sld [smem:$0x3FBA]  }
0x39: {  	_ = 	snop;
	(pc) =	sbr.ind lr, $3  }
0x3a: {  	_ = 	snop  }
0x3b: {  	_ = 	snop  }
0x3c: {  	p2 =	seq.s32 s10, $0x1;
	s10 =	sld [smem:$0x3FB9]  }
0x3d: {  	_ =	shalt  }
0x3e: {  	_ =	shalt  }
0x3f: {  	_ =	shalt  }
0x40: {  	_ =	shalt  }
0x41: {  	_ =	shalt  }
0x42: {  	_ =	shalt  }
0x43: {  	_ =	shalt  }
0x44: {  	_ =	shalt  }
0x45: {  	_ =	shalt  }
0x46: {  	_ =	shalt  }
0x47: {  	_ =	shalt  }
0x48: {  	_ =	shalt  }
0x49: {  	_ =	shalt  }
0x4a: {  	_ =	shalt  }
0x4b: {  	_ =	shalt  }
0x4c: {  	_ =	shalt  }
0x4d: {  	_ =	shalt  }
0x4e: {  	_ =	shalt  }
0x4f: {  	_ =	shalt  }
0x50: {  	_ =	shalt  }
0x51: {  	_ =	shalt  }
0x52: {  	_ =	shalt  }
0x53: {  	_ =	shalt  }
0x54: {  	_ =	shalt  }
0x55: {  	_ =	shalt  }
0x56: {  	_ =	shalt  }
0x57: {  	_ =	shalt  }
0x58: {  	_ =	shalt  }
0x59: {  	_ =	shalt  }
0x5a: {  	_ =	shalt  }
0x5b: {  	_ =	shalt  }
0x5c: {  	_ =	shalt  }
0x5d: {  	_ =	shalt  }
0x5e: {  	_ =	shalt  }
0x5f: {  	_ =	shalt  }
0x60: {  	_ =	shalt  }
0x61: {  	_ =	shalt  }
0x62: {  	_ =	shalt  }
0x63: {  	_ =	shalt  }
0x64: {  	_ =	shalt  }
0x65: {  	_ =	shalt  }
0x66: {  	_ =	shalt  }
0x67: {  	_ =	shalt  }
0x68: {  	_ =	shalt  }
0x69: {  	_ =	shalt  }
0x6a: {  	_ =	shalt  }
0x6b: {  	_ =	shalt  }
0x6c: {  	_ =	shalt  }
0x6d: {  	_ =	shalt  }
0x6e: {  	_ =	shalt  }
0x6f: {  	_ =	shalt  }
0x70: {  	_ =	shalt  }
0x71: {  	_ =	shalt  }
0x72: {  	_ =	shalt  }
0x73: {  	_ =	shalt  }
0x74: {  	_ =	shalt  }
0x75: {  	_ =	shalt  }
0x76: {  	_ =	shalt  }
0x77: {  	_ =	shalt  }
0x78: {  	_ =	shalt  }
0x79: {  	_ =	shalt  }
0x7a: {  	_ =	shalt  }
0x7b: {  	_ =	shalt  }
0x7c: {  	_ =	shalt  }
0x7d: {  	_ =	shalt  }
0x7e: {  	_ =	shalt  }
0x7f: {  	_ =	shalt  }
0x80: {  	_ =	shalt  }
0x81: {  	_ =	shalt  }
0x82: {  	_ =	shalt  }
0x83: {  	_ =	shalt  }
0x84: {  	_ =	shalt  }
0x85: {  	_ =	shalt  }
0x86: {  	_ =	shalt  }
0x87: {  	_ =	shalt  }
.Lfunc_end0:
.L_simem_size_0:
called_computation_lowered:
.L_overlay_start_0:
0x88: {  	s2 =	sld [smem:$0x3FD9]  }
0x89: {  	s3 =	sld [smem:$0x3FFE];
	_ =	sdelay $0x1  }
0x8a: {  	s1 =	srdreg.scid  }
0x8b: {  	s0 =	sand.u32 $0x1, s1  }
0x8c: {  	s16 =	sshll.u32 s0, $0xA;
	s2 =	sadd.s32 s3, s2  }
0x8d: {  	s2 =	sadd.s32 s2, s16  }
0x8e: {  	[smem:$0x3FC5] =	sst s2  }
0x8f: {  	_ = 	snop  }
0x90: {  	(tm) =	ssettm $0x1  }
0x91: {  	s17 =	sld [smem:$0x3FFB];
	_ =	sdelay $0x3  }
0x92: {  	_ =	strace s17  }
0x93: {  	s2 =	sld [smem:$0x3FFC];
	_ =	sdelay $0x3  }
0x94: {  	_ =	strace s2  }
0x95: {  	s2 =	sld [smem:$0x3FFD];
	_ =	sdelay $0x3  }
0x96: {  	_ =	strace s2  }
0x97: {  	_ =	strace $0x8FFFFFFF  }
0x98: {  	s18 =	sld [smem:$0x3FDB];
	_ =	sdelay $0x1  }
0x99: {  	s19 =	simm.s32 $_scs_section_size  }
0x9a: {  	s4 =	simm.s32 $_size__tile_overlayer_lowered;
	s5 =	simm.s32 $_tile_overlayer_lowered  }
0x9b: {  	s22 =	simm.s32 $0x1BFF;
	s21 =	sshll.u32 s5, $0x1;
	s2 =	sadd.s32 s19, s18  }
0x9c: {  	s6 =	simm.s32 $0x0;
	s20 =	sshll.u32 s4, $0x1;
	s4 =	sadd.s32 s21, s2  }
0x9d: {  	[timem:s6], [sflag:s22] =	dma.local [hbm:s4], s20  }
0x9e: {  	_ =	swait.ge [sflag:s22], s20  }
0x9f: {  	s3 =	ssub.s32 $0x0, s20;
	[sflag:s22] =	ssyncset.done $0x0  }
0xa0: {  	[sflag:s22] =	ssyncadd.s32 s3;
	_ =	sdelay $0x1  }
0xa1: {  	s23 =	simm.s32 $0x1B8B  }
0xa2: {  	_ =	swait.ge [sflag:s23], $0x1  }
0xa3: {  	[sflag:s23] =	ssyncset.done $0x0  }
0xa4: {  	s25 =	simm.s32 $0x1B8E;
	s24 =	sld [smem:$0x3FFE];
	[sflag:s23] =	ssyncadd.s32 $0xFFFFFFFF  }
0xa5: {  	s26 =	simm.s32 $execute0_lowered;
	[smem:$0x3FD2] =	sst s25  }
0xa6: {  	s4 =	sshll.u32 s26, $0x1;
	_ =	strace $0x80000046;
	[dreg:$0x1] =	wrdreg $0xFFFFFFFF  }
0xa7: {  	s28 =	simm.s32 $_size_execute0_lowered;
	s2 =	sadd.s32 s2, s4;
	[dreg:$0x0] =	wrdreg $0x0  }
0xa8: {  	s4 =	sshll.u32 s28, $0x1;
	[dreg:$0x2] =	wrdreg s2  }
0xa9: {  	[dreg:$0x3] =	wrdreg s4  }
0xaa: {  	[dreg:$0x4] =	wrdreg $0xC0  }
0xab: {  	_ =	task [dreg:s6], $0x5FFFF  }
0xac: {  	[dreg:$0x1] =	wrdreg $0xFFFFFFFF  }
0xad: {  	[dreg:$0x0] =	wrdreg $0x60  }
0xae: {  	[dreg:$0x2] =	wrdreg s24  }
0xaf: {  	[dreg:$0x3] =	wrdreg $0x9  }
0xb0: {  	_ =	task.clear_ibuf [dreg:s6], $0x4FFFF;
	_ =	strace $0x90000046  }
0xb1: {  	s29 =	simm.s32 $0x9;
	_ =	strace $0x80000048  }
0xb2: {  	_ =	swait.ge [sflag:s29], $0x1  }
0xb3: {  	[sflag:s29] =	ssyncadd.s32 $0xFFFFFFFF  }
0xb4: {  	_ =	strace $0x90000048  }
0xb5: {  	_ =	sfence  }
0xb6: {  	s30 =	sld [smem:$0x0];
	_ =	sdelay $0x2  }
0xb7: {  	s31 =	sshll.u32 s1, $0xD;
	s1 =	sshrl.u32 s1, $0x2  }
0xb8: {  	s3 =	sand.u32 $0x4000, s31;
	s1 =	sadd.s32 s1, s30  }
0xb9: {  	s0 =	sor.u32 s3, s0;
	s1 =	sshll.u32 s1, $0x11  }
0xba: {  	s0 =	sor.u32 s1, s0  }
0xbb: {  	s0 =	sadd.s32 $0x8F2B, s0  }
0xbc: {  	[sflag:s0] =	ssyncadd.remote.s32 $0x1  }
0xbd: {  	_ =	sfence.sel $0xFFFF  }
0xbe: {  	[dreg:$0x0] =	wrdreg $0xFFFFFFFF;
	(pc) =	sbr.abs _section_cstart, $3  }
0xbf: {  	[dreg:$0x1] =	wrdreg $0xFFFFFFFF  }
0xc0: {  	_ =	task.clear_ibuf [dreg:s6], $0x2FFFF;
	_ =	strace $0x9FFFFFFF  }
0xc1: {  	(tm) =	ssettm $0x7FFFFFFF  }
tec
execute0_lowered:
.L_overlay_start_1:
0x0: {  	(tag) =	ssettag $0x1  }
0x1: {  	s5 =	rddreg [dreg:$0x0];
	s2 =	srdreg.scid  }
0x2: {  	s0 =	rddreg [dreg:$0x1];
	s1 =	stileid.u32  }
0x3: {  	s20 =	simm.s32 $0x4100;
	s21 =	simm.s32 $0x0;
	s12 =	sand.u32 $0x1, s2  }
0x4: {  	s2 =	simm.s32 $0x0;
	s3 =	sshll.u32 s1, $0xD;
	s13 =	sadd.s32 $0x400, s5  }
0x5: {  	s6 =	sshll.u32 s1, $0x11;
	s8 =	sshll.u32 s1, $0x1;
	s16 =	sadd.s32 $0x35C00, s5  }
0x6: {  	s4 =	sshll.u32 s12, $0xC;
	[smem:$0x7FF] =	sst s2;
	s7 =	ssub.s32 $0x2, s12  }
0x7: {  	s14 =	sadd.s32 s6, s5;
	s8 =	sor.u32 s12, s8;
	s19 =	sshll.u32 s12, $0x10  }
0x8: {  	s4 =	sor.u32 s4, s3;
	_ =	strace $0x80000047;
	s3 =	sadd.s32 $0x188400, s5  }
0x9: {  	s24 =	sshrl.u32 s7, $0x1;
	s25 =	sshll.u32 s8, $0x6;
	s11 =	sshll.u32 s8, $0x9  }
0xa: {  	s26 =	sshll.u32 s8, $0xD;
	s14 =	sadd.s32 s19, s14;
	s19 =	simm.s32 $0x4080  }
0xb: {  	s4 =	sshrl.u32 s4, $0x3;
	s6 =	ssub.s32 s7, s24;
	s7 =	sadd.s32 s16, s26  }
0xc: {  	s28 =	sor.u32 $0x80, s11;
	s17 =	sor.u32 $0x100, s11;
	s18 =	sor.u32 $0x180, s11  }
0xd: {  	s14 =	sadd.s32 $0x310400, s14;
	s15 =	sadd.s32 s4, s5;
	s4 =	sadd.s32 $0x4C00, s5  }
0xe: {  	s5 =	sadd.s32 s13, s25;
	s6 =	smax.u32 s6, $0x1;
	s9 =	sshrl.u32 s28, $0x3  }
0xf: {  	s10 =	sshll.u32 s28, $0x4;
	s29 =	sshrl.u32 s17, $0x3;
	s17 =	sshll.u32 s17, $0x4  }
0x10: {  	s30 =	sshrl.u32 s18, $0x3;
	s31 =	sshll.u32 s18, $0x4;
	s18 =	simm.s32 $0x1  }
0x11: {  	s8 =	sadd.s32 s13, s9;
	s9 =	sadd.s32 s16, s10;
	s10 =	sadd.s32 s13, s29  }
0x12: {  	s11 =	sadd.s32 s16, s17;
	s12 =	sadd.s32 s13, s30;
	s13 =	sadd.s32 s16, s31  }
0x13: {  	s15 =	sadd.s32 $0xC00, s15;
	s16 =	simm.s32 $0x2;
	s17 =	simm.s32 $0x80  }
.LBB2_1:
0x14: {  	s22 =	sadd.s32 $0x0, s15  }
0x15: {  	[tilespmem:s2], [sflag:$0x2] =	stream.linear.gather [hbm4b:s22+s2], $0x80, $0x38;
	[tilespmem:$0x8100] =	vst v63  }
0x16: {  	_ =	swait.ge [sflag:s16], $0x80  }
0x17: {  	[sflag:s16] =	ssyncset.done $0x0  }
0x18: {  	[sflag:s16] =	ssyncadd.s32 $0xFFFFFF80  }
0x19: {  	[tilespmem:s17], [sflag:$0x1] =	stream.indirect.gather [hbm4b:s3+s17], $0x80, s2, s17, $0xb8;
	[tilespmem:$0x8100] =	vst v63  }
0x1a: {  	_ =	swait.ge [sflag:s18], $0x4000  }
0x1b: {  	[sflag:s18] =	ssyncset.done $0x0  }
0x1c: {  	[sflag:s18] =	ssyncadd.s32 $0xFFFFC000  }
0x1d: {  	[hbm4b:s14+s2] =	stream.linear.scatter [tilespmem:s17], [sflag:$0x2], $0x4000, $0x38;
	[tilespmem:$0x8100] =	vst v63  }
0x1e: {  	s23 =	simm.s32 $0x10;
	_ =	swait.ge [sflag:s16], $0x4000  }
0x1f: {  	s24 =	simm.s32 $0x20;
	s22 =	sadd.s32 $0x800, s14;
	[sflag:s16] =	ssyncset.done $0x0  }
.LBB2_2:
0x20: {  	s25 =	sadd.s32 s23, s15  }
0x21: {  	[sflag:s16] =	ssyncadd.s32 $0xFFFFC000;
	s23 =	smov.u32 s24;
	s26 =	sadd.s32 $0x10, s24  }
0x22: {  	[tilespmem:s2], [sflag:$0x2] =	stream.linear.gather [hbm4b:s25+s2], $0x80, $0x38;
	[tilespmem:$0x8100] =	vst v63  }
0x23: {  	p0 =	sne.s32 s24, $0x1F0;
	_ =	swait.ge [sflag:s16], $0x80  }
0x24: {  	[sflag:s16] =	ssyncset.done $0x0  }
0x25: {  	[sflag:s16] =	ssyncadd.s32 $0xFFFFFF80  }
0x26: {  	[tilespmem:s17], [sflag:$0x1] =	stream.indirect.gather [hbm4b:s3+s17], $0x80, s2, s17, $0xb8;
	[tilespmem:$0x8100] =	vst v63  }
0x27: {  	_ =	swait.ge [sflag:s18], $0x4000  }
.Ltmp0:
0x28: {  	[sflag:s18] =	ssyncset.done $0x0;
	(pc) =	sbr.rel @p0 .LBB2_2-.Ltmp0, $4  }
0x29: {  	[sflag:s18] =	ssyncadd.s32 $0xFFFFC000  }
0x2a: {  	[hbm4b:s22+s2] =	stream.linear.scatter [tilespmem:s17], [sflag:$0x2], $0x4000, $0x38;
	[tilespmem:$0x8100] =	vst v63  }
0x2b: {  	_ =	swait.ge [sflag:s16], $0x4000  }
0x2c: {  	s24 =	smov.u32 s26;
	s22 =	sadd.s32 $0x800, s22;
	[sflag:s16] =	ssyncset.done $0x0  }
0x2d: {  	s23 =	sadd.s32 s23, s15;
	[sflag:s16] =	ssyncadd.s32 $0xFFFFC000  }
0x2e: {  	[tilespmem:s2], [sflag:$0x2] =	stream.linear.gather [hbm4b:s23+s2], $0x80, $0x38;
	[tilespmem:$0x8100] =	vst v63  }
0x2f: {  	_ =	swait.ge [sflag:s16], $0x80  }
0x30: {  	[sflag:s16] =	ssyncset.done $0x0  }
0x31: {  	[sflag:s16] =	ssyncadd.s32 $0xFFFFFF80  }
0x32: {  	[tilespmem:s17], [sflag:$0x1] =	stream.indirect.gather [hbm4b:s3+s17], $0x80, s2, s17, $0xb8;
	[tilespmem:$0x8100] =	vst v63  }
0x33: {  	_ =	swait.ge [sflag:s18], $0x4000  }
0x34: {  	[sflag:s18] =	ssyncset.done $0x0  }
0x35: {  	[sflag:s18] =	ssyncadd.s32 $0xFFFFC000  }
0x36: {  	[hbm4b:s22+s2] =	stream.linear.scatter [tilespmem:s17], [sflag:$0x2], $0x4000, $0x38;
	[tilespmem:$0x8100] =	vst v63  }
0x37: {  	_ =	swait.ge [sflag:s16], $0x4000  }
0x38: {  	[sflag:s16] =	ssyncset.done $0x0  }
0x39: {  	[sflag:s16] =	ssyncadd.s32 $0xFFFFC000  }
0x3a: {  	[tilespmem:s19], [sflag:$0x2] =	stream.linear.gather [hbm4b:s5+s2], $0x80, $0x38;
	[tilespmem:$0x8100] =	vst v63  }
0x3b: {  	_ =	swait.ge [sflag:s16], $0x80  }
0x3c: {  	[sflag:s16] =	ssyncset.done $0x0  }
0x3d: {  	[sflag:s16] =	ssyncadd.s32 $0xFFFFFF80  }
0x3e: {  	[tilespmem:s20], [sflag:$0x1] =	stream.indirect.gather [hbm4b:s4+s17], $0x80, s19, s17, $0xb8;
	[tilespmem:$0x8100] =	vst v63  }
0x3f: {  	_ =	swait.ge [sflag:s18], $0x4000  }
0x40: {  	[sflag:s18] =	ssyncset.done $0x0  }
0x41: {  	[sflag:s18] =	ssyncadd.s32 $0xFFFFC000  }
0x42: {  	[hbm4b:s7+s2] =	stream.linear.scatter [tilespmem:s20], [sflag:$0x2], $0x4000, $0x38;
	[tilespmem:$0x8100] =	vst v63  }
0x43: {  	_ =	swait.ge [sflag:s16], $0x4000  }
0x44: {  	[sflag:s16] =	ssyncset.done $0x0  }
0x45: {  	[sflag:s16] =	ssyncadd.s32 $0xFFFFC000  }
0x46: {  	[tilespmem:s19], [sflag:$0x2] =	stream.linear.gather [hbm4b:s8+s2], $0x80, $0x38;
	[tilespmem:$0x8100] =	vst v63  }
0x47: {  	_ =	swait.ge [sflag:s16], $0x80  }
0x48: {  	[sflag:s16] =	ssyncset.done $0x0  }
0x49: {  	[sflag:s16] =	ssyncadd.s32 $0xFFFFFF80  }
0x4a: {  	[tilespmem:s20], [sflag:$0x1] =	stream.indirect.gather [hbm4b:s4+s17], $0x80, s19, s17, $0xb8;
	[tilespmem:$0x8100] =	vst v63  }
0x4b: {  	_ =	swait.ge [sflag:s18], $0x4000  }
0x4c: {  	[sflag:s18] =	ssyncset.done $0x0  }
0x4d: {  	[sflag:s18] =	ssyncadd.s32 $0xFFFFC000  }
0x4e: {  	[hbm4b:s9+s2] =	stream.linear.scatter [tilespmem:s20], [sflag:$0x2], $0x4000, $0x38;
	[tilespmem:$0x8100] =	vst v63  }
0x4f: {  	_ =	swait.ge [sflag:s16], $0x4000  }
0x50: {  	[sflag:s16] =	ssyncset.done $0x0  }
0x51: {  	[sflag:s16] =	ssyncadd.s32 $0xFFFFC000  }
0x52: {  	[tilespmem:s19], [sflag:$0x2] =	stream.linear.gather [hbm4b:s10+s2], $0x80, $0x38;
	[tilespmem:$0x8100] =	vst v63  }
0x53: {  	_ =	swait.ge [sflag:s16], $0x80  }
0x54: {  	[sflag:s16] =	ssyncset.done $0x0  }
0x55: {  	[sflag:s16] =	ssyncadd.s32 $0xFFFFFF80  }
0x56: {  	[tilespmem:s20], [sflag:$0x1] =	stream.indirect.gather [hbm4b:s4+s17], $0x80, s19, s17, $0xb8;
	[tilespmem:$0x8100] =	vst v63  }
0x57: {  	_ =	swait.ge [sflag:s18], $0x4000  }
0x58: {  	[sflag:s18] =	ssyncset.done $0x0  }
0x59: {  	[sflag:s18] =	ssyncadd.s32 $0xFFFFC000  }
0x5a: {  	[hbm4b:s11+s2] =	stream.linear.scatter [tilespmem:s20], [sflag:$0x2], $0x4000, $0x38;
	[tilespmem:$0x8100] =	vst v63  }
0x5b: {  	_ =	swait.ge [sflag:s16], $0x4000  }
0x5c: {  	[sflag:s16] =	ssyncset.done $0x0  }
0x5d: {  	[sflag:s16] =	ssyncadd.s32 $0xFFFFC000  }
0x5e: {  	[tilespmem:s19], [sflag:$0x2] =	stream.linear.gather [hbm4b:s12+s2], $0x80, $0x38;
	[tilespmem:$0x8100] =	vst v63  }
0x5f: {  	_ =	swait.ge [sflag:s16], $0x80  }
0x60: {  	[sflag:s16] =	ssyncset.done $0x0  }
0x61: {  	[sflag:s16] =	ssyncadd.s32 $0xFFFFFF80  }
0x62: {  	[tilespmem:s20], [sflag:$0x1] =	stream.indirect.gather [hbm4b:s4+s17], $0x80, s19, s17, $0xb8;
	[tilespmem:$0x8100] =	vst v63  }
0x63: {  	s21 =	sadd.s32 $0x1, s21;
	_ =	swait.ge [sflag:s18], $0x4000  }
0x64: {  	p0 =	sne.s32 s21, s6;
	[sflag:s18] =	ssyncset.done $0x0  }
.Ltmp1:
0x65: {  	[sflag:s18] =	ssyncadd.s32 $0xFFFFC000;
	(pc) =	sbr.rel @p0 .LBB2_1-.Ltmp1, $4  }
0x66: {  	[hbm4b:s13+s2] =	stream.linear.scatter [tilespmem:s20], [sflag:$0x2], $0x4000, $0x38;
	[tilespmem:$0x8100] =	vst v63  }
0x67: {  	_ =	swait.ge [sflag:s16], $0x4000  }
0x68: {  	[sflag:s16] =	ssyncset.done $0x0  }
0x69: {  	[sflag:s16] =	ssyncadd.s32 $0xFFFFC000  }
0x6a: {  	_ =	sfence.sel $0x180000  }
0x6b: {  	[bflag:$0x0] =	sbarrier.arrive $0xFFFF  }
0x6c: {  	p0 =	sne.s32 s1, $0x0;
	_ =	strace $0x90000047  }
0x6d: {  	s0 =	sadd.s32 @!p0 $0x100000, s0;
	[bflag:$0x2] =	sbarrier.arrive $0xFFFF  }
0x6e: {  	[sflag:s0] =	ssyncadd.tile.s32 @!p0 $0x1;
	_ =	shalt  }
.Lfunc_end2:
_tile_overlayer_lowered:
.L_overlay_start_2:
0x6f: {  	(tag) =	ssettag $0x2  }
0x70: {  	s0 =	rddreg [dreg:$0x0];
	s2 =	stileid.u32  }
0x71: {  	s1 =	rddreg [dreg:$0x1];
	p0 =	sne.s32 s2, $0x0  }
0x72: {  	s3 =	rddreg [dreg:$0x2];
	[bflag:$0x3] =	sbarrier.arrive $0xFFFF;
	s2 =	simm.s32 @!p0 $0x1C02  }
0x73: {  	[timem:s3], [sflag:s2] =	dma.local @!p0 [hbm:s0], s1  }
0x74: {  	s0 =	simm.s32 @!p0 $0x2  }
0x75: {  	_ =	swait.ge @!p0 [sflag:s0], s1  }
0x76: {  	s1 =	ssub.s32 @!p0 $0x0, s1;
	[sflag:s0] =	ssyncset.done @!p0 $0x0  }
0x77: {  	[sflag:s0] =	ssyncadd.s32 @!p0 s1  }
0x78: {  	[bflag:$0x3] =	sbarrier.arrive $0xFFFF  }
0x79: {  	_ =	shalt  }

</sc_bundles>
